<compile_context>
chip_gen: v7x
topology: tpu7x:2x2x1
jax: 0.10.2.dev20260603
libtpu: 0.0.44.dev20260713+nightly
codegen_flags: <defaults>
</compile_context>

<pallas_src>
import functools

import jax
import jax.numpy as jnp
from jax import lax
from jax.experimental import pallas as pl
from jax.experimental.pallas import tpu as pltpu
from jax.experimental.pallas import tpu_sc as plsc

K_ROWS = 8192
CODE_DIM = 256
EMBED_DIM = 512
OUT_DIM = 512
N_TOKENS = 8192
IDS_ROWS = 64

NC, NS = 2, 16
NW = NC * NS
B_PER_W = N_TOKENS // NW
IDX_CHUNK = 128
NJ = B_PER_W // IDX_CHUNK
ROWS_PER_W = IDS_ROWS // NW


def _gather_body(table_hbm, idx_hbm, out_hbm, idx2_v, idx_v, rows_v, *sems):
    gsems = sems[:NJ]
    ssems = sems[NJ:]
    wid = lax.axis_index("s") * NC + lax.axis_index("c")
    base = wid * B_PER_W
    pltpu.sync_copy(idx_hbm.at[pl.ds(wid * ROWS_PER_W, ROWS_PER_W)], idx2_v)
    ncol = idx2_v.shape[1]
    for r in range(ROWS_PER_W):
        for c0 in range(0, ncol, 16):
            idx_v[pl.ds(r * ncol + c0, 16)] = idx2_v[r, pl.ds(c0, 16)]
    gathers = []
    for j in range(NJ):
        gathers.append(
            pltpu.async_copy(
                table_hbm.at[idx_v.at[pl.ds(j * IDX_CHUNK, IDX_CHUNK)]],
                rows_v.at[pl.ds(j * IDX_CHUNK, IDX_CHUNK)],
                gsems[j],
            )
        )
    stores = []
    for j in range(NJ):
        gathers[j].wait()
        stores.append(
            pltpu.async_copy(
                rows_v.at[pl.ds(j * IDX_CHUNK, IDX_CHUNK)],
                out_hbm.at[pl.ds(base + j * IDX_CHUNK, IDX_CHUNK)],
                ssems[j],
            )
        )
    for s in stores:
        s.wait()


@functools.cache
def _sc_gather_fn():
    return pl.kernel(
        _gather_body,
        out_type=jax.ShapeDtypeStruct((N_TOKENS, CODE_DIM), jnp.float32),
        mesh=plsc.VectorSubcoreMesh(core_axis_name="c", subcore_axis_name="s"),
        scratch_types=[
            pltpu.VMEM((ROWS_PER_W, 128), jnp.int32),
            pltpu.VMEM((B_PER_W,), jnp.int32),
            pltpu.VMEM((B_PER_W, CODE_DIM), jnp.float32),
        ] + [pltpu.SemaphoreType.DMA] * (2 * NJ),
    )


def _fuse_body(wp_ref, wo_ref, wd_ref, bp_ref, bo_ref, bd_ref,
               wf_ref, bf_ref):
    t = jnp.dot(wp_ref[...], wo_ref[...], preferred_element_type=jnp.float32)
    wf_ref[...] = jnp.dot(t, wd_ref[...], preferred_element_type=jnp.float32)
    tb = jnp.dot(bp_ref[...], wo_ref[...],
                 preferred_element_type=jnp.float32) + bo_ref[...]
    bf_ref[...] = jnp.dot(tb, wd_ref[...],
                          preferred_element_type=jnp.float32) + bd_ref[...]


def _fuse_weights(W_proj, b_proj, W_out, b_out, W_dec, b_dec):
    return pl.pallas_call(
        _fuse_body,
        out_shape=(
            jax.ShapeDtypeStruct((CODE_DIM, OUT_DIM), jnp.float32),
            jax.ShapeDtypeStruct((1, OUT_DIM), jnp.float32),
        ),
    )(W_proj, W_out, W_dec,
      b_proj.reshape(1, EMBED_DIM), b_out.reshape(1, EMBED_DIM),
      b_dec.reshape(1, OUT_DIM))


M_BLK = 4096


def _mm_body(emb_ref, wf_ref, bf_ref, out_ref):
    out_ref[...] = jnp.dot(emb_ref[...], wf_ref[...],
                           preferred_element_type=jnp.float32) + bf_ref[...]


def _tc_decode(emb, wf, bf):
    return pl.pallas_call(
        _mm_body,
        grid=(N_TOKENS // M_BLK,),
        in_specs=[
            pl.BlockSpec((M_BLK, CODE_DIM), lambda i: (i, 0)),
            pl.BlockSpec((CODE_DIM, OUT_DIM), lambda i: (0, 0)),
            pl.BlockSpec((1, OUT_DIM), lambda i: (0, 0)),
        ],
        out_specs=pl.BlockSpec((M_BLK, OUT_DIM), lambda i: (i, 0)),
        out_shape=jax.ShapeDtypeStruct((N_TOKENS, OUT_DIM), jnp.float32),
    )(emb, wf, bf)


@jax.jit
def kernel(ids, codebook, W_proj, b_proj, W_out, b_out, W_dec, b_dec):
    B, T = ids.shape
    ids_v = ids.reshape(IDS_ROWS, 128)
    emb = _sc_gather_fn()(codebook, ids_v)
    wf, bf = _fuse_weights(W_proj, b_proj, W_out, b_out, W_dec, b_dec)
    out = _tc_decode(emb, wf, bf)
    return out.reshape(B, T, OUT_DIM)

# --- scband reference (transcript-rebuilt; emitter-appended) ---
"""Pipeline reference for scband-w-sim-vq-decompose-cross-19765439496220 (READ-ONLY COPY).

The authoritative reference and input builder live on the scoring server;
editing this copy changes nothing except your own understanding.
"""

import jax, jax.numpy as jnp
import numpy as np

K = 8192
CODE_DIM = 256
EMBED_DIM = 512
OUT_DIM = 512
B = 128
T = 64

def setup_inputs(seed: int = 0) -> dict:
    key = jax.random.key(seed)
    k_ids, k_cb, k_wp, k_wo, k_wd = jax.random.split(key, 5)
    ids = jax.random.randint(k_ids, (B, T), 0, K, dtype=jnp.int64) if jax.config.jax_enable_x64 else jax.random.randint(k_ids, (B, T), 0, K, dtype=jnp.int32)
    codebook = jax.random.normal(k_cb, (K, CODE_DIM), dtype=jnp.float32)
    W_proj = jax.random.normal(k_wp, (CODE_DIM, EMBED_DIM), dtype=jnp.float32) * (1.0 / np.sqrt(CODE_DIM))
    b_proj = jnp.zeros((EMBED_DIM,), dtype=jnp.float32)
    W_out = jax.random.normal(k_wo, (EMBED_DIM, EMBED_DIM), dtype=jnp.float32) * (1.0 / np.sqrt(EMBED_DIM))
    b_out = jnp.zeros((EMBED_DIM,), dtype=jnp.float32)
    W_dec = jax.random.normal(k_wd, (EMBED_DIM, OUT_DIM), dtype=jnp.float32) * (1.0 / np.sqrt(EMBED_DIM))
    b_dec = jnp.zeros((OUT_DIM,), dtype=jnp.float32)
    return {"ids": ids, "codebook": codebook, "W_proj": W_proj, "b_proj": b_proj, "W_out": W_out, "b_out": b_out, "W_dec": W_dec, "b_dec": b_dec}

def reference(ids, codebook, W_proj, b_proj, W_out, b_out, W_dec, b_dec):
    # decode_ids path of W_SimVQ_decompose_cross:
    #   embedding = self.embed_weight[id]                (codebook gather)
    #   quant = quantize.embedding_proj(embedding)        (SimVQ linear reparam of codebook)
    #   quant = quantize_output_list[dataset_id](quant)   (per-dataset output linear)
    #   dec   = dec_P_list[dataset_id](quant)             (linear decoder head)
    emb = jnp.take(codebook, ids, axis=0)                 # [B, T, CODE_DIM]
    quant = jnp.dot(emb, W_proj) + b_proj                 # embedding_proj
    quant = jnp.dot(quant, W_out) + b_out                 # quantize_output
    dec = jnp.dot(quant, W_dec) + b_dec                   # dec_P
    return dec

if __name__ == "__main__":
    import jax
    _d = setup_inputs()
    print(jax.jit(kernel)(*tuple(_d.values())))

</pallas_src>

<mosaic_0001>
#map = affine_map<(d0, d1) -> (0, 0)>
module attributes {stable_mosaic.version = 14 : i64} {
  func.func @_gather_body(%arg0: i32, %arg1: i32, %arg2: memref<8192x256xf32, #tpu.memory_space<hbm>>, %arg3: memref<64x128xi32, #tpu.memory_space<hbm>>, %arg4: memref<8192x256xf32, #tpu.memory_space<hbm>>, %arg5: memref<2x128xi32, #tpu.memory_space<vmem>>, %arg6: memref<256xi32, #tpu.memory_space<vmem>>, %arg7: memref<256x256xf32, #tpu.memory_space<vmem>>, %arg8: memref<!tpu.dma_semaphore, #tpu.memory_space<semaphore_mem>>, %arg9: memref<!tpu.dma_semaphore, #tpu.memory_space<semaphore_mem>>, %arg10: memref<!tpu.dma_semaphore, #tpu.memory_space<semaphore_mem>>, %arg11: memref<!tpu.dma_semaphore, #tpu.memory_space<semaphore_mem>>) attributes {dimension_semantics = [#tpu.dimension_semantics<core_parallel>, #tpu.dimension_semantics<subcore_parallel>], iteration_bounds = array<i64: 2, 16>, scalar_prefetch = 0 : i64, scratch_operands = 7 : i64, tpu.core_type = #tpu.core_type<sc_vector_subcore>, window_params = [{transform_indices = #map}, {transform_indices = #map}, {transform_indices = #map}]} {
    %mul3A = arith.constant 2 : i32
    %mul3A_0 = arith.muli %arg1, %mul3A : i32
    %add3A = arith.addi %mul3A_0, %arg0 : i32
    %mul3A_1 = arith.constant 256 : i32
    %mul3A_2 = arith.muli %add3A, %mul3A_1 : i32
    %mul3A_3 = arith.constant 2 : i32
    %mul3A_4 = arith.muli %add3A, %mul3A_3 : i32
    "tpu.region"() ({
      %run_scoped3A = tpu.sem_alloc : memref<!tpu.dma_semaphore, #tpu.memory_space<semaphore_mem>>
      %dma_start3A_221 = arith.constant 0 : i32
      %dma_start3A_222 = tpu.memref_slice %arg3[%mul3A_4, %dma_start3A_221] : memref<64x128xi32, #tpu.memory_space<hbm>> -> memref<2x128xi32, #tpu.memory_space<hbm>>
      %dma_start3A_223 = arith.constant 0 : i32
      %dma_start3A_224 = tpu.memref_slice %arg3[%mul3A_4, %dma_start3A_223] : memref<64x128xi32, #tpu.memory_space<hbm>> -> memref<2x128xi32, #tpu.memory_space<hbm>>
      tpu.enqueue_dma source(%dma_start3A_224 : memref<2x128xi32, #tpu.memory_space<hbm>>) target(%arg5 : memref<2x128xi32, #tpu.memory_space<vmem>>) target_semaphore(%run_scoped3A : memref<!tpu.dma_semaphore, #tpu.memory_space<semaphore_mem>>)
      %dma_wait3A_225 = arith.constant 0 : i32
      %dma_wait3A_226 = tpu.memref_slice %arg3[%mul3A_4, %dma_wait3A_225] : memref<64x128xi32, #tpu.memory_space<hbm>> -> memref<2x128xi32, #tpu.memory_space<hbm>>
      %dma_wait3A_227 = arith.constant 0 : i32
      %dma_wait3A_228 = tpu.memref_slice %arg3[%mul3A_4, %dma_wait3A_227] : memref<64x128xi32, #tpu.memory_space<hbm>> -> memref<2x128xi32, #tpu.memory_space<hbm>>
      tpu.wait_dma2 semaphore(%run_scoped3A : memref<!tpu.dma_semaphore, #tpu.memory_space<semaphore_mem>>) src(%dma_wait3A_228 : memref<2x128xi32, #tpu.memory_space<hbm>>) dst(%arg5 : memref<2x128xi32, #tpu.memory_space<vmem>>)
      tpu.yield
    }) : () -> ()
    %get3A = arith.constant 0 : i32
    %get3A_5 = arith.index_cast %get3A : i32 to index
    %get3A_6 = arith.constant 0 : index
    %get3A_7 = tpu.vector_load %arg5[%get3A_5, %get3A_6] {strides = array<i32>} : memref<2x128xi32, #tpu.memory_space<vmem>>, vector<1x16xi32>,
    %get3A_8 = vector.shape_cast %get3A_7 : vector<1x16xi32> to vector<16xi32>
    %swap3A = arith.constant 0 : index
    %swap3A_9 = tpu.vector_load %arg6[%swap3A] {strides = array<i32>} : memref<256xi32, #tpu.memory_space<vmem>>, vector<16xi32>,
    %swap3A_10 = vector.shape_cast %swap3A_9 : vector<16xi32> to vector<16xi32>
    %swap3A_11 = vector.shape_cast %get3A_8 : vector<16xi32> to vector<16xi32>
    tpu.vector_store %arg6[%swap3A], %swap3A_11 {strides = array<i32>} : memref<256xi32, #tpu.memory_space<vmem>>, vector<16xi32>,
    %get3A_12 = arith.constant 0 : i32
    %get3A_13 = arith.index_cast %get3A_12 : i32 to index
    %get3A_14 = arith.constant 16 : index
    %get3A_15 = tpu.vector_load %arg5[%get3A_13, %get3A_14] {strides = array<i32>} : memref<2x128xi32, #tpu.memory_space<vmem>>, vector<1x16xi32>,
    %get3A_16 = vector.shape_cast %get3A_15 : vector<1x16xi32> to vector<16xi32>
    %swap3A_17 = arith.constant 16 : index
    %swap3A_18 = tpu.vector_load %arg6[%swap3A_17] {strides = array<i32>} : memref<256xi32, #tpu.memory_space<vmem>>, vector<16xi32>,
    %swap3A_19 = vector.shape_cast %swap3A_18 : vector<16xi32> to vector<16xi32>
    %swap3A_20 = vector.shape_cast %get3A_16 : vector<16xi32> to vector<16xi32>
    tpu.vector_store %arg6[%swap3A_17], %swap3A_20 {strides = array<i32>} : memref<256xi32, #tpu.memory_space<vmem>>, vector<16xi32>,
    %get3A_21 = arith.constant 0 : i32
    %get3A_22 = arith.index_cast %get3A_21 : i32 to index
    %get3A_23 = arith.constant 32 : index
    %get3A_24 = tpu.vector_load %arg5[%get3A_22, %get3A_23] {strides = array<i32>} : memref<2x128xi32, #tpu.memory_space<vmem>>, vector<1x16xi32>,
    %get3A_25 = vector.shape_cast %get3A_24 : vector<1x16xi32> to vector<16xi32>
    %swap3A_26 = arith.constant 32 : index
    %swap3A_27 = tpu.vector_load %arg6[%swap3A_26] {strides = array<i32>} : memref<256xi32, #tpu.memory_space<vmem>>, vector<16xi32>,
    %swap3A_28 = vector.shape_cast %swap3A_27 : vector<16xi32> to vector<16xi32>
    %swap3A_29 = vector.shape_cast %get3A_25 : vector<16xi32> to vector<16xi32>
    tpu.vector_store %arg6[%swap3A_26], %swap3A_29 {strides = array<i32>} : memref<256xi32, #tpu.memory_space<vmem>>, vector<16xi32>,
    %get3A_30 = arith.constant 0 : i32
    %get3A_31 = arith.index_cast %get3A_30 : i32 to index
    %get3A_32 = arith.constant 48 : index
    %get3A_33 = tpu.vector_load %arg5[%get3A_31, %get3A_32] {strides = array<i32>} : memref<2x128xi32, #tpu.memory_space<vmem>>, vector<1x16xi32>,
    %get3A_34 = vector.shape_cast %get3A_33 : vector<1x16xi32> to vector<16xi32>
    %swap3A_35 = arith.constant 48 : index
    %swap3A_36 = tpu.vector_load %arg6[%swap3A_35] {strides = array<i32>} : memref<256xi32, #tpu.memory_space<vmem>>, vector<16xi32>,
    %swap3A_37 = vector.shape_cast %swap3A_36 : vector<16xi32> to vector<16xi32>
    %swap3A_38 = vector.shape_cast %get3A_34 : vector<16xi32> to vector<16xi32>
    tpu.vector_store %arg6[%swap3A_35], %swap3A_38 {strides = array<i32>} : memref<256xi32, #tpu.memory_space<vmem>>, vector<16xi32>,
    %get3A_39 = arith.constant 0 : i32
    %get3A_40 = arith.index_cast %get3A_39 : i32 to index
    %get3A_41 = arith.constant 64 : index
    %get3A_42 = tpu.vector_load %arg5[%get3A_40, %get3A_41] {strides = array<i32>} : memref<2x128xi32, #tpu.memory_space<vmem>>, vector<1x16xi32>,
    %get3A_43 = vector.shape_cast %get3A_42 : vector<1x16xi32> to vector<16xi32>
    %swap3A_44 = arith.constant 64 : index
    %swap3A_45 = tpu.vector_load %arg6[%swap3A_44] {strides = array<i32>} : memref<256xi32, #tpu.memory_space<vmem>>, vector<16xi32>,
    %swap3A_46 = vector.shape_cast %swap3A_45 : vector<16xi32> to vector<16xi32>
    %swap3A_47 = vector.shape_cast %get3A_43 : vector<16xi32> to vector<16xi32>
    tpu.vector_store %arg6[%swap3A_44], %swap3A_47 {strides = array<i32>} : memref<256xi32, #tpu.memory_space<vmem>>, vector<16xi32>,
    %get3A_48 = arith.constant 0 : i32
    %get3A_49 = arith.index_cast %get3A_48 : i32 to index
    %get3A_50 = arith.constant 80 : index
    %get3A_51 = tpu.vector_load %arg5[%get3A_49, %get3A_50] {strides = array<i32>} : memref<2x128xi32, #tpu.memory_space<vmem>>, vector<1x16xi32>,
    %get3A_52 = vector.shape_cast %get3A_51 : vector<1x16xi32> to vector<16xi32>
    %swap3A_53 = arith.constant 80 : index
    %swap3A_54 = tpu.vector_load %arg6[%swap3A_53] {strides = array<i32>} : memref<256xi32, #tpu.memory_space<vmem>>, vector<16xi32>,
    %swap3A_55 = vector.shape_cast %swap3A_54 : vector<16xi32> to vector<16xi32>
    %swap3A_56 = vector.shape_cast %get3A_52 : vector<16xi32> to vector<16xi32>
    tpu.vector_store %arg6[%swap3A_53], %swap3A_56 {strides = array<i32>} : memref<256xi32, #tpu.memory_space<vmem>>, vector<16xi32>,
    %get3A_57 = arith.constant 0 : i32
    %get3A_58 = arith.index_cast %get3A_57 : i32 to index
    %get3A_59 = arith.constant 96 : index
    %get3A_60 = tpu.vector_load %arg5[%get3A_58, %get3A_59] {strides = array<i32>} : memref<2x128xi32, #tpu.memory_space<vmem>>, vector<1x16xi32>,
    %get3A_61 = vector.shape_cast %get3A_60 : vector<1x16xi32> to vector<16xi32>
    %swap3A_62 = arith.constant 96 : index
    %swap3A_63 = tpu.vector_load %arg6[%swap3A_62] {strides = array<i32>} : memref<256xi32, #tpu.memory_space<vmem>>, vector<16xi32>,
    %swap3A_64 = vector.shape_cast %swap3A_63 : vector<16xi32> to vector<16xi32>
    %swap3A_65 = vector.shape_cast %get3A_61 : vector<16xi32> to vector<16xi32>
    tpu.vector_store %arg6[%swap3A_62], %swap3A_65 {strides = array<i32>} : memref<256xi32, #tpu.memory_space<vmem>>, vector<16xi32>,
    %get3A_66 = arith.constant 0 : i32
    %get3A_67 = arith.index_cast %get3A_66 : i32 to index
    %get3A_68 = arith.constant 112 : index
    %get3A_69 = tpu.vector_load %arg5[%get3A_67, %get3A_68] {strides = array<i32>} : memref<2x128xi32, #tpu.memory_space<vmem>>, vector<1x16xi32>,
    %get3A_70 = vector.shape_cast %get3A_69 : vector<1x16xi32> to vector<16xi32>
    %swap3A_71 = arith.constant 112 : index
    %swap3A_72 = tpu.vector_load %arg6[%swap3A_71] {strides = array<i32>} : memref<256xi32, #tpu.memory_space<vmem>>, vector<16xi32>,
    %swap3A_73 = vector.shape_cast %swap3A_72 : vector<16xi32> to vector<16xi32>
    %swap3A_74 = vector.shape_cast %get3A_70 : vector<16xi32> to vector<16xi32>
    tpu.vector_store %arg6[%swap3A_71], %swap3A_74 {strides = array<i32>} : memref<256xi32, #tpu.memory_space<vmem>>, vector<16xi32>,
    %get3A_75 = arith.constant 1 : i32
    %get3A_76 = arith.index_cast %get3A_75 : i32 to index
    %get3A_77 = arith.constant 0 : index
    %get3A_78 = tpu.vector_load %arg5[%get3A_76, %get3A_77] {strides = array<i32>} : memref<2x128xi32, #tpu.memory_space<vmem>>, vector<1x16xi32>,
    %get3A_79 = vector.shape_cast %get3A_78 : vector<1x16xi32> to vector<16xi32>
    %swap3A_80 = arith.constant 128 : index
    %swap3A_81 = tpu.vector_load %arg6[%swap3A_80] {strides = array<i32>} : memref<256xi32, #tpu.memory_space<vmem>>, vector<16xi32>,
    %swap3A_82 = vector.shape_cast %swap3A_81 : vector<16xi32> to vector<16xi32>
    %swap3A_83 = vector.shape_cast %get3A_79 : vector<16xi32> to vector<16xi32>
    tpu.vector_store %arg6[%swap3A_80], %swap3A_83 {strides = array<i32>} : memref<256xi32, #tpu.memory_space<vmem>>, vector<16xi32>,
    %get3A_84 = arith.constant 1 : i32
    %get3A_85 = arith.index_cast %get3A_84 : i32 to index
    %get3A_86 = arith.constant 16 : index
    %get3A_87 = tpu.vector_load %arg5[%get3A_85, %get3A_86] {strides = array<i32>} : memref<2x128xi32, #tpu.memory_space<vmem>>, vector<1x16xi32>,
    %get3A_88 = vector.shape_cast %get3A_87 : vector<1x16xi32> to vector<16xi32>
    %swap3A_89 = arith.constant 144 : index
    %swap3A_90 = tpu.vector_load %arg6[%swap3A_89] {strides = array<i32>} : memref<256xi32, #tpu.memory_space<vmem>>, vector<16xi32>,
    %swap3A_91 = vector.shape_cast %swap3A_90 : vector<16xi32> to vector<16xi32>
    %swap3A_92 = vector.shape_cast %get3A_88 : vector<16xi32> to vector<16xi32>
    tpu.vector_store %arg6[%swap3A_89], %swap3A_92 {strides = array<i32>} : memref<256xi32, #tpu.memory_space<vmem>>, vector<16xi32>,
    %get3A_93 = arith.constant 1 : i32
    %get3A_94 = arith.index_cast %get3A_93 : i32 to index
    %get3A_95 = arith.constant 32 : index
    %get3A_96 = tpu.vector_load %arg5[%get3A_94, %get3A_95] {strides = array<i32>} : memref<2x128xi32, #tpu.memory_space<vmem>>, vector<1x16xi32>,
    %get3A_97 = vector.shape_cast %get3A_96 : vector<1x16xi32> to vector<16xi32>
    %swap3A_98 = arith.constant 160 : index
    %swap3A_99 = tpu.vector_load %arg6[%swap3A_98] {strides = array<i32>} : memref<256xi32, #tpu.memory_space<vmem>>, vector<16xi32>,
    %swap3A_100 = vector.shape_cast %swap3A_99 : vector<16xi32> to vector<16xi32>
    %swap3A_101 = vector.shape_cast %get3A_97 : vector<16xi32> to vector<16xi32>
    tpu.vector_store %arg6[%swap3A_98], %swap3A_101 {strides = array<i32>} : memref<256xi32, #tpu.memory_space<vmem>>, vector<16xi32>,
    %get3A_102 = arith.constant 1 : i32
    %get3A_103 = arith.index_cast %get3A_102 : i32 to index
    %get3A_104 = arith.constant 48 : index
    %get3A_105 = tpu.vector_load %arg5[%get3A_103, %get3A_104] {strides = array<i32>} : memref<2x128xi32, #tpu.memory_space<vmem>>, vector<1x16xi32>,
    %get3A_106 = vector.shape_cast %get3A_105 : vector<1x16xi32> to vector<16xi32>
    %swap3A_107 = arith.constant 176 : index
    %swap3A_108 = tpu.vector_load %arg6[%swap3A_107] {strides = array<i32>} : memref<256xi32, #tpu.memory_space<vmem>>, vector<16xi32>,
    %swap3A_109 = vector.shape_cast %swap3A_108 : vector<16xi32> to vector<16xi32>
    %swap3A_110 = vector.shape_cast %get3A_106 : vector<16xi32> to vector<16xi32>
    tpu.vector_store %arg6[%swap3A_107], %swap3A_110 {strides = array<i32>} : memref<256xi32, #tpu.memory_space<vmem>>, vector<16xi32>,
    %get3A_111 = arith.constant 1 : i32
    %get3A_112 = arith.index_cast %get3A_111 : i32 to index
    %get3A_113 = arith.constant 64 : index
    %get3A_114 = tpu.vector_load %arg5[%get3A_112, %get3A_113] {strides = array<i32>} : memref<2x128xi32, #tpu.memory_space<vmem>>, vector<1x16xi32>,
    %get3A_115 = vector.shape_cast %get3A_114 : vector<1x16xi32> to vector<16xi32>
    %swap3A_116 = arith.constant 192 : index
    %swap3A_117 = tpu.vector_load %arg6[%swap3A_116] {strides = array<i32>} : memref<256xi32, #tpu.memory_space<vmem>>, vector<16xi32>,
    %swap3A_118 = vector.shape_cast %swap3A_117 : vector<16xi32> to vector<16xi32>
    %swap3A_119 = vector.shape_cast %get3A_115 : vector<16xi32> to vector<16xi32>
    tpu.vector_store %arg6[%swap3A_116], %swap3A_119 {strides = array<i32>} : memref<256xi32, #tpu.memory_space<vmem>>, vector<16xi32>,
    %get3A_120 = arith.constant 1 : i32
    %get3A_121 = arith.index_cast %get3A_120 : i32 to index
    %get3A_122 = arith.constant 80 : index
    %get3A_123 = tpu.vector_load %arg5[%get3A_121, %get3A_122] {strides = array<i32>} : memref<2x128xi32, #tpu.memory_space<vmem>>, vector<1x16xi32>,
    %get3A_124 = vector.shape_cast %get3A_123 : vector<1x16xi32> to vector<16xi32>
    %swap3A_125 = arith.constant 208 : index
    %swap3A_126 = tpu.vector_load %arg6[%swap3A_125] {strides = array<i32>} : memref<256xi32, #tpu.memory_space<vmem>>, vector<16xi32>,
    %swap3A_127 = vector.shape_cast %swap3A_126 : vector<16xi32> to vector<16xi32>
    %swap3A_128 = vector.shape_cast %get3A_124 : vector<16xi32> to vector<16xi32>
    tpu.vector_store %arg6[%swap3A_125], %swap3A_128 {strides = array<i32>} : memref<256xi32, #tpu.memory_space<vmem>>, vector<16xi32>,
    %get3A_129 = arith.constant 1 : i32
    %get3A_130 = arith.index_cast %get3A_129 : i32 to index
    %get3A_131 = arith.constant 96 : index
    %get3A_132 = tpu.vector_load %arg5[%get3A_130, %get3A_131] {strides = array<i32>} : memref<2x128xi32, #tpu.memory_space<vmem>>, vector<1x16xi32>,
    %get3A_133 = vector.shape_cast %get3A_132 : vector<1x16xi32> to vector<16xi32>
    %swap3A_134 = arith.constant 224 : index
    %swap3A_135 = tpu.vector_load %arg6[%swap3A_134] {strides = array<i32>} : memref<256xi32, #tpu.memory_space<vmem>>, vector<16xi32>,
    %swap3A_136 = vector.shape_cast %swap3A_135 : vector<16xi32> to vector<16xi32>
    %swap3A_137 = vector.shape_cast %get3A_133 : vector<16xi32> to vector<16xi32>
    tpu.vector_store %arg6[%swap3A_134], %swap3A_137 {strides = array<i32>} : memref<256xi32, #tpu.memory_space<vmem>>, vector<16xi32>,
    %get3A_138 = arith.constant 1 : i32
    %get3A_139 = arith.index_cast %get3A_138 : i32 to index
    %get3A_140 = arith.constant 112 : index
    %get3A_141 = tpu.vector_load %arg5[%get3A_139, %get3A_140] {strides = array<i32>} : memref<2x128xi32, #tpu.memory_space<vmem>>, vector<1x16xi32>,
    %get3A_142 = vector.shape_cast %get3A_141 : vector<1x16xi32> to vector<16xi32>
    %swap3A_143 = arith.constant 240 : index
    %swap3A_144 = tpu.vector_load %arg6[%swap3A_143] {strides = array<i32>} : memref<256xi32, #tpu.memory_space<vmem>>, vector<16xi32>,
    %swap3A_145 = vector.shape_cast %swap3A_144 : vector<16xi32> to vector<16xi32>
    %swap3A_146 = vector.shape_cast %get3A_142 : vector<16xi32> to vector<16xi32>
    tpu.vector_store %arg6[%swap3A_143], %swap3A_146 {strides = array<i32>} : memref<256xi32, #tpu.memory_space<vmem>>, vector<16xi32>,
    %dma_start3A = arith.constant 0 : i32
    %dma_start3A_147 = arith.constant 0 : i32
    %dma_start3A_148 = tpu.memref_slice %arg7[%dma_start3A, %dma_start3A_147] : memref<256x256xf32, #tpu.memory_space<vmem>> -> memref<128x256xf32, #tpu.memory_space<vmem>>
    %dma_start3A_149 = arith.constant 0 : i32
    %dma_start3A_150 = tpu.memref_slice %arg6[%dma_start3A_149] : memref<256xi32, #tpu.memory_space<vmem>> -> memref<128xi32, #tpu.memory_space<vmem>>
    %dma_start3A_151 = arith.constant 0 : i32
    %dma_start3A_152 = arith.constant 0 : i32
    %dma_start3A_153 = tpu.memref_slice %arg2[%dma_start3A_151, %dma_start3A_152] : memref<8192x256xf32, #tpu.memory_space<hbm>> -> memref<8192x256xf32, #tpu.memory_space<hbm>>
    tpu.enqueue_indirect_dma source(%dma_start3A_153 : memref<8192x256xf32, #tpu.memory_space<hbm>>) target(%dma_start3A_148 : memref<128x256xf32, #tpu.memory_space<vmem>>) offsets(%dma_start3A_150 : memref<128xi32, #tpu.memory_space<vmem>>) semaphore(%arg8 : memref<!tpu.dma_semaphore, #tpu.memory_space<semaphore_mem>>)
    %dma_start3A_154 = arith.constant 128 : i32
    %dma_start3A_155 = arith.constant 0 : i32
    %dma_start3A_156 = tpu.memref_slice %arg7[%dma_start3A_154, %dma_start3A_155] : memref<256x256xf32, #tpu.memory_space<vmem>> -> memref<128x256xf32, #tpu.memory_space<vmem>>
    %dma_start3A_157 = arith.constant 128 : i32
    %dma_start3A_158 = tpu.memref_slice %arg6[%dma_start3A_157] : memref<256xi32, #tpu.memory_space<vmem>> -> memref<128xi32, #tpu.memory_space<vmem>>
    %dma_start3A_159 = arith.constant 0 : i32
    %dma_start3A_160 = arith.constant 0 : i32
    %dma_start3A_161 = tpu.memref_slice %arg2[%dma_start3A_159, %dma_start3A_160] : memref<8192x256xf32, #tpu.memory_space<hbm>> -> memref<8192x256xf32, #tpu.memory_space<hbm>>
    tpu.enqueue_indirect_dma source(%dma_start3A_161 : memref<8192x256xf32, #tpu.memory_space<hbm>>) target(%dma_start3A_156 : memref<128x256xf32, #tpu.memory_space<vmem>>) offsets(%dma_start3A_158 : memref<128xi32, #tpu.memory_space<vmem>>) semaphore(%arg9 : memref<!tpu.dma_semaphore, #tpu.memory_space<semaphore_mem>>)
    %dma_wait3A = arith.constant 0 : i32
    %dma_wait3A_162 = arith.constant 0 : i32
    %dma_wait3A_163 = tpu.memref_slice %arg7[%dma_wait3A, %dma_wait3A_162] : memref<256x256xf32, #tpu.memory_space<vmem>> -> memref<128x256xf32, #tpu.memory_space<vmem>>
    %dma_wait3A_164 = arith.constant 0 : i32
    %dma_wait3A_165 = tpu.memref_slice %arg6[%dma_wait3A_164] : memref<256xi32, #tpu.memory_space<vmem>> -> memref<128xi32, #tpu.memory_space<vmem>>
    %dma_wait3A_166 = arith.constant 0 : i32
    %dma_wait3A_167 = arith.constant 0 : i32
    %dma_wait3A_168 = tpu.memref_slice %arg2[%dma_wait3A_166, %dma_wait3A_167] : memref<8192x256xf32, #tpu.memory_space<hbm>> -> memref<8192x256xf32, #tpu.memory_space<hbm>>
    tpu.wait_indirect_dma semaphore(%arg8 : memref<!tpu.dma_semaphore, #tpu.memory_space<semaphore_mem>>) src(%dma_wait3A_168 : memref<8192x256xf32, #tpu.memory_space<hbm>>) dst(%dma_wait3A_163 : memref<128x256xf32, #tpu.memory_space<vmem>>)
    %add3A_169 = arith.constant 0 : i32
    %add3A_170 = arith.addi %mul3A_2, %add3A_169 : i32
    %dma_start3A_171 = arith.constant 0 : i32
    %dma_start3A_172 = arith.constant 0 : i32
    %dma_start3A_173 = tpu.memref_slice %arg7[%dma_start3A_171, %dma_start3A_172] : memref<256x256xf32, #tpu.memory_space<vmem>> -> memref<128x256xf32, #tpu.memory_space<vmem>>
    %dma_start3A_174 = arith.constant 0 : i32
    %dma_start3A_175 = tpu.memref_slice %arg4[%add3A_170, %dma_start3A_174] : memref<8192x256xf32, #tpu.memory_space<hbm>> -> memref<128x256xf32, #tpu.memory_space<hbm>>
    %dma_start3A_176 = arith.constant 0 : i32
    %dma_start3A_177 = tpu.memref_slice %arg4[%add3A_170, %dma_start3A_176] : memref<8192x256xf32, #tpu.memory_space<hbm>> -> memref<128x256xf32, #tpu.memory_space<hbm>>
    %dma_start3A_178 = arith.constant 0 : i32
    %dma_start3A_179 = arith.constant 0 : i32
    %dma_start3A_180 = tpu.memref_slice %arg7[%dma_start3A_178, %dma_start3A_179] : memref<256x256xf32, #tpu.memory_space<vmem>> -> memref<128x256xf32, #tpu.memory_space<vmem>>
    tpu.enqueue_dma source(%dma_start3A_180 : memref<128x256xf32, #tpu.memory_space<vmem>>) target(%dma_start3A_177 : memref<128x256xf32, #tpu.memory_space<hbm>>) target_semaphore(%arg10 : memref<!tpu.dma_semaphore, #tpu.memory_space<semaphore_mem>>)
    %dma_wait3A_181 = arith.constant 128 : i32
    %dma_wait3A_182 = arith.constant 0 : i32
    %dma_wait3A_183 = tpu.memref_slice %arg7[%dma_wait3A_181, %dma_wait3A_182] : memref<256x256xf32, #tpu.memory_space<vmem>> -> memref<128x256xf32, #tpu.memory_space<vmem>>
    %dma_wait3A_184 = arith.constant 128 : i32
    %dma_wait3A_185 = tpu.memref_slice %arg6[%dma_wait3A_184] : memref<256xi32, #tpu.memory_space<vmem>> -> memref<128xi32, #tpu.memory_space<vmem>>
    %dma_wait3A_186 = arith.constant 0 : i32
    %dma_wait3A_187 = arith.constant 0 : i32
    %dma_wait3A_188 = tpu.memref_slice %arg2[%dma_wait3A_186, %dma_wait3A_187] : memref<8192x256xf32, #tpu.memory_space<hbm>> -> memref<8192x256xf32, #tpu.memory_space<hbm>>
    tpu.wait_indirect_dma semaphore(%arg9 : memref<!tpu.dma_semaphore, #tpu.memory_space<semaphore_mem>>) src(%dma_wait3A_188 : memref<8192x256xf32, #tpu.memory_space<hbm>>) dst(%dma_wait3A_183 : memref<128x256xf32, #tpu.memory_space<vmem>>)
    %add3A_189 = arith.constant 128 : i32
    %add3A_190 = arith.addi %mul3A_2, %add3A_189 : i32
    %dma_start3A_191 = arith.constant 128 : i32
    %dma_start3A_192 = arith.constant 0 : i32
    %dma_start3A_193 = tpu.memref_slice %arg7[%dma_start3A_191, %dma_start3A_192] : memref<256x256xf32, #tpu.memory_space<vmem>> -> memref<128x256xf32, #tpu.memory_space<vmem>>
    %dma_start3A_194 = arith.constant 0 : i32
    %dma_start3A_195 = tpu.memref_slice %arg4[%add3A_190, %dma_start3A_194] : memref<8192x256xf32, #tpu.memory_space<hbm>> -> memref<128x256xf32, #tpu.memory_space<hbm>>
    %dma_start3A_196 = arith.constant 0 : i32
    %dma_start3A_197 = tpu.memref_slice %arg4[%add3A_190, %dma_start3A_196] : memref<8192x256xf32, #tpu.memory_space<hbm>> -> memref<128x256xf32, #tpu.memory_space<hbm>>
    %dma_start3A_198 = arith.constant 128 : i32
    %dma_start3A_199 = arith.constant 0 : i32
    %dma_start3A_200 = tpu.memref_slice %arg7[%dma_start3A_198, %dma_start3A_199] : memref<256x256xf32, #tpu.memory_space<vmem>> -> memref<128x256xf32, #tpu.memory_space<vmem>>
    tpu.enqueue_dma source(%dma_start3A_200 : memref<128x256xf32, #tpu.memory_space<vmem>>) target(%dma_start3A_197 : memref<128x256xf32, #tpu.memory_space<hbm>>) target_semaphore(%arg11 : memref<!tpu.dma_semaphore, #tpu.memory_space<semaphore_mem>>)
    %dma_wait3A_201 = arith.constant 0 : i32
    %dma_wait3A_202 = arith.constant 0 : i32
    %dma_wait3A_203 = tpu.memref_slice %arg7[%dma_wait3A_201, %dma_wait3A_202] : memref<256x256xf32, #tpu.memory_space<vmem>> -> memref<128x256xf32, #tpu.memory_space<vmem>>
    %dma_wait3A_204 = arith.constant 0 : i32
    %dma_wait3A_205 = tpu.memref_slice %arg4[%add3A_170, %dma_wait3A_204] : memref<8192x256xf32, #tpu.memory_space<hbm>> -> memref<128x256xf32, #tpu.memory_space<hbm>>
    %dma_wait3A_206 = arith.constant 0 : i32
    %dma_wait3A_207 = tpu.memref_slice %arg4[%add3A_170, %dma_wait3A_206] : memref<8192x256xf32, #tpu.memory_space<hbm>> -> memref<128x256xf32, #tpu.memory_space<hbm>>
    %dma_wait3A_208 = arith.constant 0 : i32
    %dma_wait3A_209 = arith.constant 0 : i32
    %dma_wait3A_210 = tpu.memref_slice %arg7[%dma_wait3A_208, %dma_wait3A_209] : memref<256x256xf32, #tpu.memory_space<vmem>> -> memref<128x256xf32, #tpu.memory_space<vmem>>
    tpu.wait_dma2 semaphore(%arg10 : memref<!tpu.dma_semaphore, #tpu.memory_space<semaphore_mem>>) src(%dma_wait3A_210 : memref<128x256xf32, #tpu.memory_space<vmem>>) dst(%dma_wait3A_207 : memref<128x256xf32, #tpu.memory_space<hbm>>)
    %dma_wait3A_211 = arith.constant 128 : i32
    %dma_wait3A_212 = arith.constant 0 : i32
    %dma_wait3A_213 = tpu.memref_slice %arg7[%dma_wait3A_211, %dma_wait3A_212] : memref<256x256xf32, #tpu.memory_space<vmem>> -> memref<128x256xf32, #tpu.memory_space<vmem>>
    %dma_wait3A_214 = arith.constant 0 : i32
    %dma_wait3A_215 = tpu.memref_slice %arg4[%add3A_190, %dma_wait3A_214] : memref<8192x256xf32, #tpu.memory_space<hbm>> -> memref<128x256xf32, #tpu.memory_space<hbm>>
    %dma_wait3A_216 = arith.constant 0 : i32
    %dma_wait3A_217 = tpu.memref_slice %arg4[%add3A_190, %dma_wait3A_216] : memref<8192x256xf32, #tpu.memory_space<hbm>> -> memref<128x256xf32, #tpu.memory_space<hbm>>
    %dma_wait3A_218 = arith.constant 128 : i32
    %dma_wait3A_219 = arith.constant 0 : i32
    %dma_wait3A_220 = tpu.memref_slice %arg7[%dma_wait3A_218, %dma_wait3A_219] : memref<256x256xf32, #tpu.memory_space<vmem>> -> memref<128x256xf32, #tpu.memory_space<vmem>>
    tpu.wait_dma2 semaphore(%arg11 : memref<!tpu.dma_semaphore, #tpu.memory_space<semaphore_mem>>) src(%dma_wait3A_220 : memref<128x256xf32, #tpu.memory_space<vmem>>) dst(%dma_wait3A_217 : memref<128x256xf32, #tpu.memory_space<hbm>>)
    return
  }
}

module attributes {stable_mosaic.version = 14 : i64} {
  func.func @_mm_body(%arg0: i32, %arg1: memref<4096x256xf32, #tpu.memory_space<vmem>>, %arg2: memref<256x512xf32, #tpu.memory_space<vmem>>, %arg3: memref<1x512xf32, #tpu.memory_space<vmem>>, %arg4: memref<4096x512xf32, #tpu.memory_space<vmem>>) attributes {dimension_semantics = [#tpu.dimension_semantics<arbitrary>], iteration_bounds = array<i64: 2>, scalar_prefetch = 0 : i64, scratch_operands = 0 : i64, tpu.core_type = #tpu.core_type<tc>, window_params = [{transform_indices = @transform_0, window_bounds = array<i64: 4096, 256>}, {pipeline_mode = #tpu.pipeline_mode<synchronous>, transform_indices = @transform_1, window_bounds = array<i64: 256, 512>}, {pipeline_mode = #tpu.pipeline_mode<synchronous>, transform_indices = @transform_2, window_bounds = array<i64: 1, 512>}, {transform_indices = @transform_3, window_bounds = array<i64: 4096, 512>}]} {
    %get3A = arith.constant 0 : index
    %get3A_0 = arith.constant 0 : index
    %get3A_1 = vector.load %arg1[%get3A, %get3A_0] : memref<4096x256xf32, #tpu.memory_space<vmem>>, vector<4096x256xf32>
    %get3A_2 = arith.constant 0 : index
    %get3A_3 = arith.constant 0 : index
    %get3A_4 = vector.load %arg2[%get3A_2, %get3A_3] : memref<256x512xf32, #tpu.memory_space<vmem>>, vector<256x512xf32>
    %dot_general3A = arith.constant dense<0.000000e+00> : vector<4096x512xf32>
    %dot_general3A_5 = tpu.matmul %get3A_1, %get3A_4, %dot_general3A {dimension_numbers = #tpu.dot_dimension_numbers<[1], [0], [0], [1], [0, 0, 1, 1], [], []>, transpose_lhs_hint = false} : vector<4096x256xf32>, vector<256x512xf32>, vector<4096x512xf32> -> vector<4096x512xf32>
    %get3A_6 = arith.constant 0 : index
    %get3A_7 = arith.constant 0 : index
    %get3A_8 = vector.load %arg3[%get3A_6, %get3A_7] : memref<1x512xf32, #tpu.memory_space<vmem>>, vector<1x512xf32>
    %add3A = vector.broadcast %get3A_8 : vector<1x512xf32> to vector<4096x512xf32>
    %add3A_9 = arith.addf %dot_general3A_5, %add3A : vector<4096x512xf32>
    %swap3A = arith.constant 0 : index
    %swap3A_10 = arith.constant 0 : index
    %swap3A_11 = vector.load %arg4[%swap3A, %swap3A_10] : memref<4096x512xf32, #tpu.memory_space<vmem>>, vector<4096x512xf32>
    tpu.vector_store %arg4[%swap3A, %swap3A_10], %add3A_9 {strides = array<i32>} : memref<4096x512xf32, #tpu.memory_space<vmem>>, vector<4096x512xf32>,
    return
  }
  func.func @transform_0(%arg0: i32) -> (i32, i32) {
    %c0_i32 = arith.constant 0 : i32
    %c0_i32_0 = arith.constant 0 : i32
    return %arg0, %c0_i32 : i32, i32
  }
  func.func @transform_1(%arg0: i32) -> (i32, i32) {
    %c0_i32 = arith.constant 0 : i32
    %c0_i32_0 = arith.constant 0 : i32
    %c0_i32_1 = arith.constant 0 : i32
    return %c0_i32, %c0_i32_0 : i32, i32
  }
  func.func @transform_2(%arg0: i32) -> (i32, i32) {
    %c0_i32 = arith.constant 0 : i32
    %c0_i32_0 = arith.constant 0 : i32
    %c0_i32_1 = arith.constant 0 : i32
    return %c0_i32, %c0_i32_0 : i32, i32
  }
  func.func @transform_3(%arg0: i32) -> (i32, i32) {
    %c0_i32 = arith.constant 0 : i32
    %c0_i32_0 = arith.constant 0 : i32
    return %arg0, %c0_i32 : i32, i32
  }
}

module attributes {stable_mosaic.version = 14 : i64} {
  func.func @_fuse_body(%arg0: memref<256x512xf32, #tpu.memory_space<vmem>>, %arg1: memref<512x512xf32, #tpu.memory_space<vmem>>, %arg2: memref<512x512xf32, #tpu.memory_space<vmem>>, %arg3: memref<1x512xf32, #tpu.memory_space<vmem>>, %arg4: memref<1x512xf32, #tpu.memory_space<vmem>>, %arg5: memref<1x512xf32, #tpu.memory_space<vmem>>, %arg6: memref<256x512xf32, #tpu.memory_space<vmem>>, %arg7: memref<1x512xf32, #tpu.memory_space<vmem>>) attributes {dimension_semantics = [], scalar_prefetch = 0 : i64, scratch_operands = 0 : i64, tpu.core_type = #tpu.core_type<tc>} {
    %get3A = arith.constant 0 : index
    %get3A_0 = arith.constant 0 : index
    %get3A_1 = vector.load %arg0[%get3A, %get3A_0] : memref<256x512xf32, #tpu.memory_space<vmem>>, vector<256x512xf32>
    %get3A_2 = arith.constant 0 : index
    %get3A_3 = arith.constant 0 : index
    %get3A_4 = vector.load %arg1[%get3A_2, %get3A_3] : memref<512x512xf32, #tpu.memory_space<vmem>>, vector<512x512xf32>
    %dot_general3A = arith.constant dense<0.000000e+00> : vector<256x512xf32>
    %dot_general3A_5 = tpu.matmul %get3A_1, %get3A_4, %dot_general3A {dimension_numbers = #tpu.dot_dimension_numbers<[1], [0], [0], [1], [0, 0, 1, 1], [], []>, transpose_lhs_hint = false} : vector<256x512xf32>, vector<512x512xf32>, vector<256x512xf32> -> vector<256x512xf32>
    %get3A_6 = arith.constant 0 : index
    %get3A_7 = arith.constant 0 : index
    %get3A_8 = vector.load %arg2[%get3A_6, %get3A_7] : memref<512x512xf32, #tpu.memory_space<vmem>>, vector<512x512xf32>
    %dot_general3A_9 = arith.constant dense<0.000000e+00> : vector<256x512xf32>
    %dot_general3A_10 = tpu.matmul %dot_general3A_5, %get3A_8, %dot_general3A_9 {dimension_numbers = #tpu.dot_dimension_numbers<[1], [0], [0], [1], [0, 0, 1, 1], [], []>, transpose_lhs_hint = false} : vector<256x512xf32>, vector<512x512xf32>, vector<256x512xf32> -> vector<256x512xf32>
    %swap3A = arith.constant 0 : index
    %swap3A_11 = arith.constant 0 : index
    %swap3A_12 = vector.load %arg6[%swap3A, %swap3A_11] : memref<256x512xf32, #tpu.memory_space<vmem>>, vector<256x512xf32>
    tpu.vector_store %arg6[%swap3A, %swap3A_11], %dot_general3A_10 {strides = array<i32>} : memref<256x512xf32, #tpu.memory_space<vmem>>, vector<256x512xf32>,
    %get3A_13 = arith.constant 0 : index
    %get3A_14 = arith.constant 0 : index
    %get3A_15 = vector.load %arg3[%get3A_13, %get3A_14] : memref<1x512xf32, #tpu.memory_space<vmem>>, vector<1x512xf32>
    %get3A_16 = arith.constant 0 : index
    %get3A_17 = arith.constant 0 : index
    %get3A_18 = vector.load %arg1[%get3A_16, %get3A_17] : memref<512x512xf32, #tpu.memory_space<vmem>>, vector<512x512xf32>
    %dot_general3A_19 = arith.constant dense<0.000000e+00> : vector<1x512xf32>
    %dot_general3A_20 = tpu.matmul %get3A_15, %get3A_18, %dot_general3A_19 {dimension_numbers = #tpu.dot_dimension_numbers<[1], [0], [0], [1], [0, 0, 1, 1], [], []>, transpose_lhs_hint = false} : vector<1x512xf32>, vector<512x512xf32>, vector<1x512xf32> -> vector<1x512xf32>
    %get3A_21 = arith.constant 0 : index
    %get3A_22 = arith.constant 0 : index
    %get3A_23 = vector.load %arg4[%get3A_21, %get3A_22] : memref<1x512xf32, #tpu.memory_space<vmem>>, vector<1x512xf32>
    %add3A = arith.addf %dot_general3A_20, %get3A_23 : vector<1x512xf32>
    %get3A_24 = arith.constant 0 : index
    %get3A_25 = arith.constant 0 : index
    %get3A_26 = vector.load %arg2[%get3A_24, %get3A_25] : memref<512x512xf32, #tpu.memory_space<vmem>>, vector<512x512xf32>
    %dot_general3A_27 = arith.constant dense<0.000000e+00> : vector<1x512xf32>
    %dot_general3A_28 = tpu.matmul %add3A, %get3A_26, %dot_general3A_27 {dimension_numbers = #tpu.dot_dimension_numbers<[1], [0], [0], [1], [0, 0, 1, 1], [], []>, transpose_lhs_hint = false} : vector<1x512xf32>, vector<512x512xf32>, vector<1x512xf32> -> vector<1x512xf32>
    %get3A_29 = arith.constant 0 : index
    %get3A_30 = arith.constant 0 : index
    %get3A_31 = vector.load %arg5[%get3A_29, %get3A_30] : memref<1x512xf32, #tpu.memory_space<vmem>>, vector<1x512xf32>
    %add3A_32 = arith.addf %dot_general3A_28, %get3A_31 : vector<1x512xf32>
    %swap3A_33 = arith.constant 0 : index
    %swap3A_34 = arith.constant 0 : index
    %swap3A_35 = vector.load %arg7[%swap3A_33, %swap3A_34] : memref<1x512xf32, #tpu.memory_space<vmem>>, vector<1x512xf32>
    tpu.vector_store %arg7[%swap3A_33, %swap3A_34], %add3A_32 {strides = array<i32>} : memref<1x512xf32, #tpu.memory_space<vmem>>, vector<1x512xf32>,
    return
  }
}

</mosaic_0001>

<sc_bundles>
// kernel: kernel.5.cloned.1.call-start
scs
__scs_entry_jumppad:
0x0: {  	(pc) =	sbr.rel $0x88, $3  }
0x1: {  	(tag) =	ssettag $0x0;
	lr =	simm.s32 $0x1  }
0x2: {  	[smem:$0x3F99] =	sst lr;
	_ =	strace $0xD0000000  }
0x3: {  	_ = 	snop  }
0x4: {  	_ = 	snop  }
0x5: {  	_ = 	snop  }
0x6: {  	_ = 	snop  }
0x7: {  	_ = 	snop  }
__scs_overlays_trampoline_lowered:
0x8: {  	[smem:$0x3FA8] =	sst s0  }
0x9: {  	[smem:$0x3FA9] =	sst s1  }
0xa: {  	[smem:$0x3FAA] =	sst s2  }
0xb: {  	[smem:$0x3FAB] =	sst s3  }
0xc: {  	[smem:$0x3FAC] =	sst s4  }
0xd: {  	[smem:$0x3FAD] =	sst s5  }
0xe: {  	[smem:$0x3FAE] =	sst s6  }
0xf: {  	[smem:$0x3FAF] =	sst s7  }
0x10: {  	[smem:$0x3FB0] =	sst s8  }
0x11: {  	[smem:$0x3FB1] =	sst s9;
	s0 =	simm.s32 @!p0 $0x0  }
0x12: {  	s1 =	sld [smem:$0x3F97];
	s0 =	simm.s32 @p0 $0x1  }
0x13: {  	[smem:$0x3FB2] =	sst s0;
	s0 =	simm.s32 @!p1 $0x0  }
0x14: {  	s2 =	sld [smem:$0x3F96];
	s0 =	simm.s32 @p1 $0x1  }
0x15: {  	[smem:$0x3FB3] =	sst s0;
	s0 =	simm.s32 @!p2 $0x0  }
0x16: {  	s3 =	sld [smem:$0x3FDB];
	s0 =	simm.s32 @p2 $0x1  }
0x17: {  	s4 =	simm.s32 $0x1BF5;
	[smem:$0x3FB5] =	sst s0  }
0x18: {  	s0 =	sld [smem:$0x3F98];
	_ =	swait.ge [sflag:s4], $0x0  }
0x19: {  	s7 =	sld [smem:$0x3F99]  }
0x1a: {  	s8 =	sadd.s32 $0xFFFFE003, lr  }
0x1b: {  	s9 =	sadd.s32 $0xFFFFFEF7, lr;
	s5 =	simm.s32 $0xFFFFFFFF;
	p2 =	slt.u32 s8, $0xFFFFF086  }
0x1c: {  	p1 =	slt.u32 s9, $0xF7A;
	s5 =	simm.s32 @!p2 $0x0  }
0x1d: {  	s5 =	simm.s32 @p1 $0x1;
	p0 =	seq.s32 s7, s2  }
0x1e: {  	s7 =	smul.u32 @!p0 $0xF7A, s2;
	p2 =	seq.s32 @!p0 s5, $0x0  }
0x1f: {  	s9 =	smul.u32 $0xF7A, s1;
	s8 =	simm.s32 @!p0 $0x1BF5;
	p2 =	por !p2, p0  }
0x20: {  	[sflag:s8] =	ssyncset.s32 @!p0 $0xFFFFF086;
	s6 =	sadd.s32 @!p0 s3, s7;
	s7 =	simm.s32 @!p0 $0x108  }
0x21: {  	s3 =	sadd.s32 s3, s9;
	s6 =	sadd.s32 @!p0 $0x88, s6;
	s7 =	simm.s32 @p2 $0x1082  }
0x22: {  	[simem:s7], [sflag:s8] =	dma.local @!p0 [hbm:s6], $0xF7A  }
0x23: {  	s9 =	sor.u32 $0xD0000000, s2;
	s6 =	simm.s32 $0x108;
	_ =	swait.ge @!p0 [sflag:s8], $0x0  }
0x24: {  	s3 =	sadd.s32 $0x88, s3;
	s6 =	simm.s32 @!p1 $0x1082;
	[sflag:s4] =	ssyncset.s32 $0xFFFFF086  }
0x25: {  	[simem:s6], [sflag:s4] =	dma.local [hbm:s3], $0xF7A  }
0x26: {  	[smem:$0x3F99] =	sst s1;
	(tag) =	ssettag s2;
	_ =	strace s9  }
0x27: {  	s1 =	sld [smem:$0x3FA9]  }
0x28: {  	s2 =	sld [smem:$0x3FAA]  }
0x29: {  	s4 =	sld [smem:$0x3FAC]  }
0x2a: {  	p0 =	seq.s32 s5, $0x0;
	s5 =	sld [smem:$0x3FAD]  }
0x2b: {  	s6 =	sld [smem:$0x3FAE]  }
0x2c: {  	s7 =	sld [smem:$0x3FAF]  }
0x2d: {  	s3 =	simm.s32 $0x108;
	s8 =	sld [smem:$0x3FB0]  }
0x2e: {  	s3 =	simm.s32 @!p0 $0x1082;
	s9 =	sld [smem:$0x3FB1]  }
0x2f: {  	lr =	sadd.s32 s0, s3;
	s0 =	sld [smem:$0x3FA8]  }
0x30: {  	s3 =	sld [smem:$0x3FAB]  }
0x31: {  	[smem:$0x3FB4] =	sst s10  }
0x32: {  	s10 =	sld [smem:$0x3FB2];
	_ =	sdelay $0x3  }
0x33: {  	p0 =	seq.s32 s10, $0x1;
	s10 =	sld [smem:$0x3FB4];
	_ =	sdelay $0x3  }
0x34: {  	[smem:$0x3FB4] =	sst s10  }
0x35: {  	s10 =	sld [smem:$0x3FB3];
	_ =	sdelay $0x3  }
0x36: {  	p1 =	seq.s32 s10, $0x1;
	s10 =	sld [smem:$0x3FB4];
	_ =	sdelay $0x3  }
0x37: {  	[smem:$0x3FB4] =	sst s10  }
0x38: {  	s10 =	sld [smem:$0x3FB5]  }
0x39: {  	_ = 	snop;
	(pc) =	sbr.ind lr, $3  }
0x3a: {  	_ = 	snop  }
0x3b: {  	_ = 	snop  }
0x3c: {  	p2 =	seq.s32 s10, $0x1;
	s10 =	sld [smem:$0x3FB4]  }
0x3d: {  	_ =	shalt  }
0x3e: {  	_ =	shalt  }
0x3f: {  	_ =	shalt  }
0x40: {  	_ =	shalt  }
0x41: {  	_ =	shalt  }
0x42: {  	_ =	shalt  }
0x43: {  	_ =	shalt  }
0x44: {  	_ =	shalt  }
0x45: {  	_ =	shalt  }
0x46: {  	_ =	shalt  }
0x47: {  	_ =	shalt  }
0x48: {  	_ =	shalt  }
0x49: {  	_ =	shalt  }
0x4a: {  	_ =	shalt  }
0x4b: {  	_ =	shalt  }
0x4c: {  	_ =	shalt  }
0x4d: {  	_ =	shalt  }
0x4e: {  	_ =	shalt  }
0x4f: {  	_ =	shalt  }
0x50: {  	_ =	shalt  }
0x51: {  	_ =	shalt  }
0x52: {  	_ =	shalt  }
0x53: {  	_ =	shalt  }
0x54: {  	_ =	shalt  }
0x55: {  	_ =	shalt  }
0x56: {  	_ =	shalt  }
0x57: {  	_ =	shalt  }
0x58: {  	_ =	shalt  }
0x59: {  	_ =	shalt  }
0x5a: {  	_ =	shalt  }
0x5b: {  	_ =	shalt  }
0x5c: {  	_ =	shalt  }
0x5d: {  	_ =	shalt  }
0x5e: {  	_ =	shalt  }
0x5f: {  	_ =	shalt  }
0x60: {  	_ =	shalt  }
0x61: {  	_ =	shalt  }
0x62: {  	_ =	shalt  }
0x63: {  	_ =	shalt  }
0x64: {  	_ =	shalt  }
0x65: {  	_ =	shalt  }
0x66: {  	_ =	shalt  }
0x67: {  	_ =	shalt  }
0x68: {  	_ =	shalt  }
0x69: {  	_ =	shalt  }
0x6a: {  	_ =	shalt  }
0x6b: {  	_ =	shalt  }
0x6c: {  	_ =	shalt  }
0x6d: {  	_ =	shalt  }
0x6e: {  	_ =	shalt  }
0x6f: {  	_ =	shalt  }
0x70: {  	_ =	shalt  }
0x71: {  	_ =	shalt  }
0x72: {  	_ =	shalt  }
0x73: {  	_ =	shalt  }
0x74: {  	_ =	shalt  }
0x75: {  	_ =	shalt  }
0x76: {  	_ =	shalt  }
0x77: {  	_ =	shalt  }
0x78: {  	_ =	shalt  }
0x79: {  	_ =	shalt  }
0x7a: {  	_ =	shalt  }
0x7b: {  	_ =	shalt  }
0x7c: {  	_ =	shalt  }
0x7d: {  	_ =	shalt  }
0x7e: {  	_ =	shalt  }
0x7f: {  	_ =	shalt  }
0x80: {  	_ =	shalt  }
0x81: {  	_ =	shalt  }
0x82: {  	_ =	shalt  }
0x83: {  	_ =	shalt  }
0x84: {  	_ =	shalt  }
0x85: {  	_ =	shalt  }
0x86: {  	_ =	shalt  }
0x87: {  	_ =	shalt  }
.Lfunc_end0:
.L_simem_size_0:
called_computation_lowered:
.L_overlay_start_0:
0x88: {  	s2 =	sld [smem:$0x3FD9]  }
0x89: {  	s3 =	sld [smem:$0x3FFE];
	_ =	sdelay $0x1  }
0x8a: {  	s1 =	srdreg.scid  }
0x8b: {  	s0 =	sand.u32 $0x1, s1  }
0x8c: {  	s17 =	sshll.u32 s0, $0xA;
	s2 =	sadd.s32 s3, s2  }
0x8d: {  	s2 =	sadd.s32 s2, s17  }
0x8e: {  	[smem:$0x3FC0] =	sst s2  }
0x8f: {  	_ = 	snop  }
0x90: {  	s2 =	sld [smem:$0x3FC8]  }
0x91: {  	s18 =	sld [smem:$0x3FD0];
	(tm) =	ssettm $0x1  }
0x92: {  	s4 =	sld [smem:$0x3FFB];
	_ =	sdelay $0x3  }
0x93: {  	_ =	strace s4  }
0x94: {  	s4 =	sld [smem:$0x3FFC];
	_ =	sdelay $0x3  }
0x95: {  	_ =	strace s4  }
0x96: {  	s4 =	sld [smem:$0x3FFD];
	_ =	sdelay $0x3  }
0x97: {  	_ =	strace s4  }
0x98: {  	_ =	strace $0x8FFFFFFF  }
0x99: {  	s19 =	sld [smem:$0x3FDB];
	_ =	sdelay $0x1  }
0x9a: {  	s5 =	simm.s32 $_scs_section_size  }
0x9b: {  	s6 =	simm.s32 $_size__tile_overlayer_lowered;
	s7 =	simm.s32 $_tile_overlayer_lowered  }
0x9c: {  	s22 =	simm.s32 $0x1BFF;
	s21 =	sshll.u32 s7, $0x1;
	s4 =	sadd.s32 s5, s19  }
0x9d: {  	s8 =	simm.s32 $0x0;
	s20 =	sshll.u32 s6, $0x1;
	s6 =	sadd.s32 s21, s4  }
0x9e: {  	[timem:s8], [sflag:s22] =	dma.local [hbm:s6], s20  }
0x9f: {  	_ =	swait.ge [sflag:s22], s20  }
0xa0: {  	s5 =	ssub.s32 $0x0, s20;
	[sflag:s22] =	ssyncset.done $0x0  }
0xa1: {  	[sflag:s22] =	ssyncadd.s32 s5;
	_ =	sdelay $0x1  }
0xa2: {  	s23 =	simm.s32 $0x1B8B  }
0xa3: {  	_ =	swait.ge [sflag:s23], $0x1  }
0xa4: {  	[sflag:s23] =	ssyncset.done $0x0  }
0xa5: {  	s25 =	simm.s32 $0x1B8E;
	s24 =	sld [smem:$0x3FFE];
	[sflag:s23] =	ssyncadd.s32 $0xFFFFFFFF  }
0xa6: {  	s26 =	simm.s32 $execute0_lowered;
	[smem:$0x3FD2] =	sst s25  }
0xa7: {  	s6 =	sshll.u32 s26, $0x1;
	_ =	strace $0x80000046;
	[dreg:$0x1] =	wrdreg $0xFFFFFFFF  }
0xa8: {  	s28 =	simm.s32 $_size_execute0_lowered;
	s4 =	sadd.s32 s4, s6;
	[dreg:$0x0] =	wrdreg $0x0  }
0xa9: {  	s6 =	sshll.u32 s28, $0x1;
	[dreg:$0x2] =	wrdreg s4  }
0xaa: {  	[dreg:$0x3] =	wrdreg s6  }
0xab: {  	[dreg:$0x4] =	wrdreg $0xC0  }
0xac: {  	_ =	task [dreg:s8], $0x5FFFF  }
0xad: {  	[dreg:$0x1] =	wrdreg $0xFFFFFFFF  }
0xae: {  	[dreg:$0x0] =	wrdreg $0x60  }
0xaf: {  	[dreg:$0x2] =	wrdreg s2  }
0xb0: {  	[dreg:$0x3] =	wrdreg s24  }
0xb1: {  	[dreg:$0x4] =	wrdreg s18  }
0xb2: {  	[dreg:$0x5] =	wrdreg $0x9  }
0xb3: {  	_ =	task.clear_ibuf [dreg:s8], $0x6FFFF;
	_ =	strace $0x90000046  }
0xb4: {  	s29 =	simm.s32 $0x9;
	_ =	strace $0x80000048  }
0xb5: {  	_ =	swait.ge [sflag:s29], $0x1  }
0xb6: {  	[sflag:s29] =	ssyncadd.s32 $0xFFFFFFFF  }
0xb7: {  	_ =	strace $0x90000048  }
0xb8: {  	_ =	sfence  }
0xb9: {  	s30 =	sld [smem:$0x0];
	_ =	sdelay $0x2  }
0xba: {  	s31 =	sshll.u32 s1, $0xD;
	s1 =	sshrl.u32 s1, $0x2  }
0xbb: {  	s3 =	sand.u32 $0x4000, s31;
	s1 =	sadd.s32 s1, s30  }
0xbc: {  	s0 =	sor.u32 s3, s0;
	s1 =	sshll.u32 s1, $0x11  }
0xbd: {  	s0 =	sor.u32 s1, s0  }
0xbe: {  	s0 =	sadd.s32 $0x8F2B, s0  }
0xbf: {  	[sflag:s0] =	ssyncadd.remote.s32 $0x1  }
0xc0: {  	_ =	sfence.sel $0xFFFF  }
0xc1: {  	[dreg:$0x0] =	wrdreg $0xFFFFFFFF;
	(pc) =	sbr.abs _section_cstart, $3  }
0xc2: {  	[dreg:$0x1] =	wrdreg $0xFFFFFFFF  }
0xc3: {  	_ =	task.clear_ibuf [dreg:s8], $0x2FFFF;
	_ =	strace $0x9FFFFFFF  }
0xc4: {  	(tm) =	ssettm $0x7FFFFFFF  }
0xc5: {  	_ =	shalt  }
tec
execute0_lowered:
.L_overlay_start_1:
0x0: {  	(tag) =	ssettag $0x1  }
0x1: {  	s1 =	rddreg [dreg:$0x0];
	s2 =	srdreg.scid  }
0x2: {  	s0 =	stileid.u32;
	s4 =	rddreg [dreg:$0x1]  }
0x3: {  	s5 =	rddreg [dreg:$0x2];
	s15 =	simm.s32 $0xA00;
	s16 =	simm.s32 $0x1200  }
0x4: {  	s17 =	simm.s32 $0x1A00;
	s2 =	sand.u32 $0x1, s2;
	s3 =	sshll.u32 s0, $0x1  }
0x5: {  	s18 =	simm.s32 $0x2200;
	s6 =	sor.u32 s2, s3;
	s3 =	simm.s32 $0x0  }
0x6: {  	s19 =	simm.s32 $0x2A00;
	s20 =	simm.s32 $0x3200;
	[smem:$0x7FF] =	sst s3  }
0x7: {  	s21 =	simm.s32 $0x3A00;
	_ =	strace $0x80000047;
	[dreg:$0x6] =	wrdreg s15  }
0x8: {  	s22 =	simm.s32 $0x4200;
	s24 =	simm.s32 $0x4A00;
	[dreg:$0x7] =	wrdreg s16  }
0x9: {  	s25 =	simm.s32 $0x5200;
	s26 =	simm.s32 $0x5A00;
	[dreg:$0x8] =	wrdreg s17  }
0xa: {  	s9 =	simm.s32 $0x6A00;
	s10 =	simm.s32 $0x7200;
	[dreg:$0x9] =	wrdreg s18  }
0xb: {  	s11 =	simm.s32 $0x7A00;
	s12 =	simm.s32 $0x8200;
	[dreg:$0xa] =	wrdreg s19  }
0xc: {  	s13 =	simm.s32 $0x8A00;
	s14 =	simm.s32 $0x9200;
	[dreg:$0xb] =	wrdreg s20  }
0xd: {  	s28 =	simm.s32 $0xFA00;
	s29 =	simm.s32 $0x1;
	[dreg:$0xc] =	wrdreg s21  }
0xe: {  	s30 =	simm.s32 $0x2;
	s31 =	simm.s32 $0x3;
	[dreg:$0xd] =	wrdreg s22  }
0xf: {  	s2 =	ssub.s32 $0x2, s2;
	s7 =	sshll.u32 s6, $0x5;
	[dreg:$0xe] =	wrdreg s24  }
0x10: {  	s6 =	sshll.u32 s6, $0xD;
	s23 =	sshrl.u32 s2, $0x1;
	[dreg:$0xf] =	wrdreg s25  }
0x11: {  	s4 =	sadd.s32 s7, s4;
	s2 =	ssub.s32 s2, s23;
	[dreg:$0x10] =	wrdreg s26  }
0x12: {  	s15 =	simm.s32 $0x9A00;
	s16 =	simm.s32 $0xA200;
	s17 =	simm.s32 $0xAA00  }
0x13: {  	s18 =	simm.s32 $0xB200;
	s19 =	simm.s32 $0xBA00;
	s20 =	simm.s32 $0xC200  }
0x14: {  	s21 =	simm.s32 $0xCA00;
	s22 =	simm.s32 $0xD200;
	s23 =	simm.s32 $0xDA00  }
0x15: {  	s24 =	simm.s32 $0xE200;
	s25 =	simm.s32 $0xEA00;
	s26 =	simm.s32 $0xF200  }
0x16: {  	v2 =	vlaneseq.u32;
	s7 =	sadd.s32 $0x1400, s4;
	s4 =	sadd.s32 s5, s6;
	s6 =	simm.s32 $0x5  }
0x17: {  	vm0 =	vmmov $0xffff;
	v1 =	vshrl.u32 v2, $0x3;
	[dreg:$0x4] =	wrdreg s7;
	s5 =	sadd.s32 $0x1000, s4;
	s7 =	simm.s32 $0x200  }
0x18: {  	v0 =	vand.u32 $0x7, v2;
	v2 =	vor.u32 $0x8, v2;
	v1 =	vmul.u32 $0x8, v1;
	[dreg:$0x5] =	wrdreg s5;
	s5 =	smax.u32 s2, $0x1;
	s2 =	simm.s32 $0x4  }
.LBB2_1:
0x19: {  	s0 =	rddreg [dreg:$0x4]  }
0x1a: {  	[tilespmem:s3], [sflag:$0x5] =	stream.linear.gather [hbm4b:s0+s3], $0x100, $0x38;
	[tilespmem:$0x10200] =	vst v63  }
0x1b: {  	_ =	swait.ge [sflag:s6], $0x100  }
0x1c: {  	[sflag:s6] =	ssyncset.done $0x0  }
0x1d: {  	[sflag:s6] =	ssyncadd.s32 $0xFFFFFF00  }
0x1e: {  	v3 =	vld [tilespmem:$0x0]  }
0x1f: {  	v4 =	vld [tilespmem:$0x10]  }
0x20: {  	v5 =	vld [tilespmem:$0x20]  }
0x21: {  	v6 =	vld [tilespmem:$0x30]  }
0x22: {  	v7 =	vld [tilespmem:$0x40]  }
0x23: {  	v8 =	vld [tilespmem:$0x50];
	[tilespmem:$0x100] =	vst v3  }
0x24: {  	v38 =	vld [tilespmem:$0x60];
	[tilespmem:$0x110] =	vst v4  }
0x25: {  	v39 =	vld [tilespmem:$0x70];
	[tilespmem:$0x120] =	vst v5  }
0x26: {  	v40 =	vld [tilespmem:$0x80];
	[tilespmem:$0x130] =	vst v6  }
0x27: {  	v41 =	vld [tilespmem:$0x90];
	[tilespmem:$0x140] =	vst v7  }
0x28: {  	v42 =	vld [tilespmem:$0xA0];
	[tilespmem:$0x150] =	vst v8  }
0x29: {  	v43 =	vld [tilespmem:$0xB0];
	[tilespmem:$0x160] =	vst v38;
	v9 =	vshll.u32 v3, $0x1  }
0x2a: {  	v44 =	vld [tilespmem:$0xC0];
	[tilespmem:$0x170] =	vst v39;
	v3 =	vand.u32 $0x7, v3;
	v9 =	vand.u32 $0xFFFFFFF0, v9  }
0x2b: {  	v45 =	vld [tilespmem:$0xD0];
	[tilespmem:$0x180] =	vst v40;
	v3 =	vor.u32 v3, v9  }
0x2c: {  	v46 =	vld [tilespmem:$0xE0];
	[tilespmem:$0x190] =	vst v41;
	v9 =	vperm.xlane v3, v0  }
0x2d: {  	v47 =	vld [tilespmem:$0xF0];
	[tilespmem:$0x1A0] =	vst v42  }
0x2e: {  	[tilespmem:$0x1B0] =	vst v43;
	v3 =	vperm.xlane v3, v2;
	v48 =	vadd.s32 v1, v9  }
0x2f: {  	[tilespmem:$0x1C0] =	vst v44  }
0x30: {  	[tilespmem:$0x1D0] =	vst v45;
	v3 =	vadd.s32 v1, v3  }
0x31: {  	[tilespmem:$0x1E0] =	vst v46  }
0x32: {  	[tilespmem:$0x1F0] =	vst v47  }
0x33: {  	[tilespmem:s7], [sflag:$0x1] =	stream.indirect_vreg.gather [hbm4b:s1+s3], $0x80, v48, vm0, $0xb8;
	[tilespmem:$0x10200] =	vst v63  }
0x34: {  	s8 =	rddreg [dreg:$0x6]  }
0x35: {  	[tilespmem:s8], [sflag:$0x1] =	stream.indirect_vreg.gather [hbm4b:s1+s3], $0x80, v3, vm0, $0xb8;
	[tilespmem:$0x10200] =	vst v63  }
0x36: {  	v3 =	vld [tilespmem:$0x110];
	_ =	sdelay $0x4  }
0x37: {  	v49 =	vshll.u32 v3, $0x1  }
0x38: {  	v3 =	vand.u32 $0x7, v3;
	v4 =	vand.u32 $0xFFFFFFF0, v49  }
0x39: {  	v3 =	vor.u32 v3, v4  }
0x3a: {  	v4 =	vperm.xlane v3, v0;
	_ =	sdelay $0x1  }
0x3b: {  	v3 =	vperm.xlane v3, v2;
	v4 =	vadd.s32 v1, v4;
	_ =	sdelay $0x1  }
0x3c: {  	v3 =	vadd.s32 v1, v3;
	_ =	sdelay $0x1  }
0x3d: {  	s0 =	rddreg [dreg:$0x7]  }
0x3e: {  	[tilespmem:s0], [sflag:$0x1] =	stream.indirect_vreg.gather [hbm4b:s1+s3], $0x80, v4, vm0, $0xb8;
	[tilespmem:$0x10200] =	vst v63  }
0x3f: {  	s8 =	rddreg [dreg:$0x8]  }
0x40: {  	[tilespmem:s8], [sflag:$0x1] =	stream.indirect_vreg.gather [hbm4b:s1+s3], $0x80, v3, vm0, $0xb8;
	[tilespmem:$0x10200] =	vst v63  }
0x41: {  	v3 =	vld [tilespmem:$0x120];
	_ =	sdelay $0x4  }
0x42: {  	v50 =	vshll.u32 v3, $0x1  }
0x43: {  	v3 =	vand.u32 $0x7, v3;
	v4 =	vand.u32 $0xFFFFFFF0, v50  }
0x44: {  	v3 =	vor.u32 v3, v4  }
0x45: {  	v4 =	vperm.xlane v3, v0;
	_ =	sdelay $0x1  }
0x46: {  	v3 =	vperm.xlane v3, v2;
	v4 =	vadd.s32 v1, v4;
	_ =	sdelay $0x1  }
0x47: {  	v3 =	vadd.s32 v1, v3;
	_ =	sdelay $0x1  }
0x48: {  	s0 =	rddreg [dreg:$0x9]  }
0x49: {  	[tilespmem:s0], [sflag:$0x1] =	stream.indirect_vreg.gather [hbm4b:s1+s3], $0x80, v4, vm0, $0xb8;
	[tilespmem:$0x10200] =	vst v63  }
0x4a: {  	s8 =	rddreg [dreg:$0xa]  }
0x4b: {  	[tilespmem:s8], [sflag:$0x1] =	stream.indirect_vreg.gather [hbm4b:s1+s3], $0x80, v3, vm0, $0xb8;
	[tilespmem:$0x10200] =	vst v63  }
0x4c: {  	v3 =	vld [tilespmem:$0x130];
	_ =	sdelay $0x4  }
0x4d: {  	v51 =	vshll.u32 v3, $0x1  }
0x4e: {  	v3 =	vand.u32 $0x7, v3;
	v4 =	vand.u32 $0xFFFFFFF0, v51  }
0x4f: {  	v3 =	vor.u32 v3, v4  }
0x50: {  	v4 =	vperm.xlane v3, v0;
	_ =	sdelay $0x1  }
0x51: {  	v3 =	vperm.xlane v3, v2;
	v4 =	vadd.s32 v1, v4;
	_ =	sdelay $0x1  }
0x52: {  	v3 =	vadd.s32 v1, v3;
	_ =	sdelay $0x1  }
0x53: {  	s0 =	rddreg [dreg:$0xb]  }
0x54: {  	[tilespmem:s0], [sflag:$0x1] =	stream.indirect_vreg.gather [hbm4b:s1+s3], $0x80, v4, vm0, $0xb8;
	[tilespmem:$0x10200] =	vst v63  }
0x55: {  	s8 =	rddreg [dreg:$0xc]  }
0x56: {  	[tilespmem:s8], [sflag:$0x1] =	stream.indirect_vreg.gather [hbm4b:s1+s3], $0x80, v3, vm0, $0xb8;
	[tilespmem:$0x10200] =	vst v63  }
0x57: {  	v3 =	vld [tilespmem:$0x140];
	_ =	sdelay $0x4  }
0x58: {  	v52 =	vshll.u32 v3, $0x1  }
0x59: {  	v3 =	vand.u32 $0x7, v3;
	v4 =	vand.u32 $0xFFFFFFF0, v52  }
0x5a: {  	v3 =	vor.u32 v3, v4  }
0x5b: {  	v4 =	vperm.xlane v3, v0;
	_ =	sdelay $0x1  }
0x5c: {  	v3 =	vperm.xlane v3, v2;
	v4 =	vadd.s32 v1, v4;
	_ =	sdelay $0x1  }
0x5d: {  	v3 =	vadd.s32 v1, v3;
	_ =	sdelay $0x1  }
0x5e: {  	s0 =	rddreg [dreg:$0xd]  }
0x5f: {  	[tilespmem:s0], [sflag:$0x1] =	stream.indirect_vreg.gather [hbm4b:s1+s3], $0x80, v4, vm0, $0xb8;
	[tilespmem:$0x10200] =	vst v63  }
0x60: {  	s8 =	rddreg [dreg:$0xe]  }
0x61: {  	[tilespmem:s8], [sflag:$0x1] =	stream.indirect_vreg.gather [hbm4b:s1+s3], $0x80, v3, vm0, $0xb8;
	[tilespmem:$0x10200] =	vst v63  }
0x62: {  	v3 =	vld [tilespmem:$0x150];
	_ =	sdelay $0x4  }
0x63: {  	v53 =	vshll.u32 v3, $0x1  }
0x64: {  	v3 =	vand.u32 $0x7, v3;
	v4 =	vand.u32 $0xFFFFFFF0, v53  }
0x65: {  	v3 =	vor.u32 v3, v4  }
0x66: {  	v4 =	vperm.xlane v3, v0;
	_ =	sdelay $0x1  }
0x67: {  	v3 =	vperm.xlane v3, v2;
	v4 =	vadd.s32 v1, v4;
	_ =	sdelay $0x1  }
0x68: {  	v3 =	vadd.s32 v1, v3;
	_ =	sdelay $0x1  }
0x69: {  	s0 =	rddreg [dreg:$0xf]  }
0x6a: {  	[tilespmem:s0], [sflag:$0x1] =	stream.indirect_vreg.gather [hbm4b:s1+s3], $0x80, v4, vm0, $0xb8;
	[tilespmem:$0x10200] =	vst v63  }
0x6b: {  	s8 =	rddreg [dreg:$0x10]  }
0x6c: {  	[tilespmem:s8], [sflag:$0x1] =	stream.indirect_vreg.gather [hbm4b:s1+s3], $0x80, v3, vm0, $0xb8;
	[tilespmem:$0x10200] =	vst v63  }
0x6d: {  	v3 =	vld [tilespmem:$0x160];
	_ =	sdelay $0x4  }
0x6e: {  	v54 =	vshll.u32 v3, $0x1  }
0x6f: {  	v3 =	vand.u32 $0x7, v3;
	v4 =	vand.u32 $0xFFFFFFF0, v54  }
0x70: {  	v3 =	vor.u32 v3, v4  }
0x71: {  	v4 =	vperm.xlane v3, v0;
	_ =	sdelay $0x1  }
0x72: {  	v3 =	vperm.xlane v3, v2;
	v4 =	vadd.s32 v1, v4;
	_ =	sdelay $0x1  }
0x73: {  	v3 =	vadd.s32 v1, v3;
	_ =	sdelay $0x1  }
0x74: {  	s8 =	simm.s32 $0x6200  }
0x75: {  	[tilespmem:s8], [sflag:$0x1] =	stream.indirect_vreg.gather [hbm4b:s1+s3], $0x80, v4, vm0, $0xb8;
	[tilespmem:$0x10200] =	vst v63  }
0x76: {  	_ = 	snop  }
0x77: {  	[tilespmem:s9], [sflag:$0x1] =	stream.indirect_vreg.gather [hbm4b:s1+s3], $0x80, v3, vm0, $0xb8;
	[tilespmem:$0x10200] =	vst v63  }
0x78: {  	v3 =	vld [tilespmem:$0x170];
	_ =	sdelay $0x4  }
0x79: {  	v55 =	vshll.u32 v3, $0x1  }
0x7a: {  	v3 =	vand.u32 $0x7, v3;
	v4 =	vand.u32 $0xFFFFFFF0, v55  }
0x7b: {  	v3 =	vor.u32 v3, v4  }
0x7c: {  	v4 =	vperm.xlane v3, v0;
	_ =	sdelay $0x1  }
0x7d: {  	v3 =	vperm.xlane v3, v2;
	v4 =	vadd.s32 v1, v4;
	_ =	sdelay $0x1  }
0x7e: {  	v3 =	vadd.s32 v1, v3;
	_ =	sdelay $0x2  }
0x7f: {  	[tilespmem:s10], [sflag:$0x1] =	stream.indirect_vreg.gather [hbm4b:s1+s3], $0x80, v4, vm0, $0xb8;
	[tilespmem:$0x10200] =	vst v63  }
0x80: {  	_ = 	snop  }
0x81: {  	[tilespmem:s11], [sflag:$0x1] =	stream.indirect_vreg.gather [hbm4b:s1+s3], $0x80, v3, vm0, $0xb8;
	[tilespmem:$0x10200] =	vst v63  }
0x82: {  	v3 =	vld [tilespmem:$0x180];
	_ =	sdelay $0x4  }
0x83: {  	v56 =	vshll.u32 v3, $0x1  }
0x84: {  	v3 =	vand.u32 $0x7, v3;
	v4 =	vand.u32 $0xFFFFFFF0, v56  }
0x85: {  	v3 =	vor.u32 v3, v4  }
0x86: {  	v4 =	vperm.xlane v3, v0;
	_ =	sdelay $0x1  }
0x87: {  	v3 =	vperm.xlane v3, v2;
	v4 =	vadd.s32 v1, v4;
	_ =	sdelay $0x1  }
0x88: {  	v3 =	vadd.s32 v1, v3;
	_ =	sdelay $0x2  }
0x89: {  	[tilespmem:s12], [sflag:$0x2] =	stream.indirect_vreg.gather [hbm4b:s1+s3], $0x80, v4, vm0, $0xb8;
	[tilespmem:$0x10200] =	vst v63  }
0x8a: {  	_ = 	snop  }
0x8b: {  	[tilespmem:s13], [sflag:$0x2] =	stream.indirect_vreg.gather [hbm4b:s1+s3], $0x80, v3, vm0, $0xb8;
	[tilespmem:$0x10200] =	vst v63  }
0x8c: {  	v3 =	vld [tilespmem:$0x190];
	_ =	sdelay $0x4  }
0x8d: {  	v57 =	vshll.u32 v3, $0x1  }
0x8e: {  	v3 =	vand.u32 $0x7, v3;
	v4 =	vand.u32 $0xFFFFFFF0, v57  }
0x8f: {  	v3 =	vor.u32 v3, v4  }
0x90: {  	v4 =	vperm.xlane v3, v0;
	_ =	sdelay $0x1  }
0x91: {  	v3 =	vperm.xlane v3, v2;
	v4 =	vadd.s32 v1, v4;
	_ =	sdelay $0x1  }
0x92: {  	v3 =	vadd.s32 v1, v3;
	_ =	sdelay $0x2  }
0x93: {  	[tilespmem:s14], [sflag:$0x2] =	stream.indirect_vreg.gather [hbm4b:s1+s3], $0x80, v4, vm0, $0xb8;
	[tilespmem:$0x10200] =	vst v63  }
0x94: {  	_ = 	snop  }
0x95: {  	[tilespmem:s15], [sflag:$0x2] =	stream.indirect_vreg.gather [hbm4b:s1+s3], $0x80, v3, vm0, $0xb8;
	[tilespmem:$0x10200] =	vst v63  }
0x96: {  	v3 =	vld [tilespmem:$0x1A0];
	_ =	sdelay $0x4  }
0x97: {  	v58 =	vshll.u32 v3, $0x1  }
0x98: {  	v3 =	vand.u32 $0x7, v3;
	v4 =	vand.u32 $0xFFFFFFF0, v58  }
0x99: {  	v3 =	vor.u32 v3, v4  }
0x9a: {  	v4 =	vperm.xlane v3, v0;
	_ =	sdelay $0x1  }
0x9b: {  	v3 =	vperm.xlane v3, v2;
	v4 =	vadd.s32 v1, v4;
	_ =	sdelay $0x1  }
0x9c: {  	v3 =	vadd.s32 v1, v3;
	_ =	sdelay $0x2  }
0x9d: {  	[tilespmem:s16], [sflag:$0x2] =	stream.indirect_vreg.gather [hbm4b:s1+s3], $0x80, v4, vm0, $0xb8;
	[tilespmem:$0x10200] =	vst v63  }
0x9e: {  	_ = 	snop  }
0x9f: {  	[tilespmem:s17], [sflag:$0x2] =	stream.indirect_vreg.gather [hbm4b:s1+s3], $0x80, v3, vm0, $0xb8;
	[tilespmem:$0x10200] =	vst v63  }
0xa0: {  	v3 =	vld [tilespmem:$0x1B0];
	_ =	sdelay $0x4  }
0xa1: {  	v59 =	vshll.u32 v3, $0x1  }
0xa2: {  	v3 =	vand.u32 $0x7, v3;
	v4 =	vand.u32 $0xFFFFFFF0, v59  }
0xa3: {  	v3 =	vor.u32 v3, v4  }
0xa4: {  	v4 =	vperm.xlane v3, v0;
	_ =	sdelay $0x1  }
0xa5: {  	v3 =	vperm.xlane v3, v2;
	v4 =	vadd.s32 v1, v4;
	_ =	sdelay $0x1  }
0xa6: {  	v3 =	vadd.s32 v1, v3;
	_ =	sdelay $0x2  }
0xa7: {  	[tilespmem:s18], [sflag:$0x2] =	stream.indirect_vreg.gather [hbm4b:s1+s3], $0x80, v4, vm0, $0xb8;
	[tilespmem:$0x10200] =	vst v63  }
0xa8: {  	_ = 	snop  }
0xa9: {  	[tilespmem:s19], [sflag:$0x2] =	stream.indirect_vreg.gather [hbm4b:s1+s3], $0x80, v3, vm0, $0xb8;
	[tilespmem:$0x10200] =	vst v63  }
0xaa: {  	v3 =	vld [tilespmem:$0x1C0];
	_ =	sdelay $0x4  }
0xab: {  	v60 =	vshll.u32 v3, $0x1  }
0xac: {  	v3 =	vand.u32 $0x7, v3;
	v4 =	vand.u32 $0xFFFFFFF0, v60  }
0xad: {  	v3 =	vor.u32 v3, v4  }
0xae: {  	v4 =	vperm.xlane v3, v0;
	_ =	sdelay $0x1  }
0xaf: {  	v3 =	vperm.xlane v3, v2;
	v4 =	vadd.s32 v1, v4;
	_ =	sdelay $0x1  }
0xb0: {  	v3 =	vadd.s32 v1, v3;
	_ =	sdelay $0x2  }
0xb1: {  	[tilespmem:s20], [sflag:$0x2] =	stream.indirect_vreg.gather [hbm4b:s1+s3], $0x80, v4, vm0, $0xb8;
	[tilespmem:$0x10200] =	vst v63  }
0xb2: {  	_ = 	snop  }
0xb3: {  	[tilespmem:s21], [sflag:$0x2] =	stream.indirect_vreg.gather [hbm4b:s1+s3], $0x80, v3, vm0, $0xb8;
	[tilespmem:$0x10200] =	vst v63  }
0xb4: {  	v3 =	vld [tilespmem:$0x1D0];
	_ =	sdelay $0x4  }
0xb5: {  	v61 =	vshll.u32 v3, $0x1  }
0xb6: {  	v3 =	vand.u32 $0x7, v3;
	v4 =	vand.u32 $0xFFFFFFF0, v61  }
0xb7: {  	v3 =	vor.u32 v3, v4  }
0xb8: {  	v4 =	vperm.xlane v3, v0;
	_ =	sdelay $0x1  }
0xb9: {  	v3 =	vperm.xlane v3, v2;
	v4 =	vadd.s32 v1, v4;
	_ =	sdelay $0x1  }
0xba: {  	v3 =	vadd.s32 v1, v3;
	_ =	sdelay $0x2  }
0xbb: {  	[tilespmem:s22], [sflag:$0x2] =	stream.indirect_vreg.gather [hbm4b:s1+s3], $0x80, v4, vm0, $0xb8;
	[tilespmem:$0x10200] =	vst v63  }
0xbc: {  	_ = 	snop  }
0xbd: {  	[tilespmem:s23], [sflag:$0x2] =	stream.indirect_vreg.gather [hbm4b:s1+s3], $0x80, v3, vm0, $0xb8;
	[tilespmem:$0x10200] =	vst v63  }
0xbe: {  	v3 =	vld [tilespmem:$0x1E0];
	_ =	sdelay $0x4  }
0xbf: {  	v62 =	vshll.u32 v3, $0x1  }
0xc0: {  	v3 =	vand.u32 $0x7, v3;
	v4 =	vand.u32 $0xFFFFFFF0, v62  }
0xc1: {  	v3 =	vor.u32 v3, v4  }
0xc2: {  	v4 =	vperm.xlane v3, v0;
	_ =	sdelay $0x1  }
0xc3: {  	v3 =	vperm.xlane v3, v2;
	v4 =	vadd.s32 v1, v4;
	_ =	sdelay $0x1  }
0xc4: {  	v3 =	vadd.s32 v1, v3;
	_ =	sdelay $0x2  }
0xc5: {  	[tilespmem:s24], [sflag:$0x2] =	stream.indirect_vreg.gather [hbm4b:s1+s3], $0x80, v4, vm0, $0xb8;
	[tilespmem:$0x10200] =	vst v63  }
0xc6: {  	_ = 	snop  }
0xc7: {  	[tilespmem:s25], [sflag:$0x2] =	stream.indirect_vreg.gather [hbm4b:s1+s3], $0x80, v3, vm0, $0xb8;
	[tilespmem:$0x10200] =	vst v63  }
0xc8: {  	v3 =	vld [tilespmem:$0x1F0];
	_ =	sdelay $0x4  }
0xc9: {  	v63 =	vshll.u32 v3, $0x1  }
0xca: {  	v3 =	vand.u32 $0x7, v3;
	v4 =	vand.u32 $0xFFFFFFF0, v63  }
0xcb: {  	v3 =	vor.u32 v3, v4  }
0xcc: {  	v4 =	vperm.xlane v3, v0;
	_ =	sdelay $0x1  }
0xcd: {  	v3 =	vperm.xlane v3, v2;
	v4 =	vadd.s32 v1, v4;
	_ =	sdelay $0x1  }
0xce: {  	v3 =	vadd.s32 v1, v3;
	_ =	sdelay $0x2  }
0xcf: {  	[tilespmem:s26], [sflag:$0x2] =	stream.indirect_vreg.gather [hbm4b:s1+s3], $0x80, v4, vm0, $0xb8;
	[tilespmem:$0x10200] =	vst v63  }
0xd0: {  	_ = 	snop  }
0xd1: {  	[tilespmem:s28], [sflag:$0x2] =	stream.indirect_vreg.gather [hbm4b:s1+s3], $0x80, v3, vm0, $0xb8;
	[tilespmem:$0x10200] =	vst v63  }
0xd2: {  	_ =	swait.ge [sflag:s29], $0x8000  }
0xd3: {  	[sflag:s29] =	ssyncset.done $0x0  }
0xd4: {  	[sflag:s29] =	ssyncadd.s32 $0xFFFF8000  }
0xd5: {  	[hbm4b:s4+s3] =	stream.linear.scatter [tilespmem:s7], [sflag:$0x3], $0x8000, $0x38;
	[tilespmem:$0x10200] =	vst v63  }
0xd6: {  	_ =	swait.ge [sflag:s30], $0x8000  }
0xd7: {  	[sflag:s30] =	ssyncset.done $0x0  }
0xd8: {  	s8 =	rddreg [dreg:$0x5];
	[sflag:s30] =	ssyncadd.s32 $0xFFFF8000  }
0xd9: {  	[hbm4b:s8+s3] =	stream.linear.scatter [tilespmem:s12], [sflag:$0x4], $0x8000, $0x38;
	[tilespmem:$0x10200] =	vst v63  }
0xda: {  	p0 =	sne.s32 s5, $0x1;
	_ =	swait.ge [sflag:s31], $0x8000  }
.Ltmp0:
0xdb: {  	[sflag:s31] =	ssyncset.done $0x0;
	(pc) =	sbr.rel @p0 .LBB2_1-.Ltmp0, $4  }
0xdc: {  	[sflag:s31] =	ssyncadd.s32 $0xFFFF8000  }
0xdd: {  	_ =	swait.ge [sflag:s2], $0x8000  }
0xde: {  	[sflag:s2] =	ssyncset.done $0x0  }
0xdf: {  	s5 =	sadd.s32 $0xFFFFFFFF, s5;
	[sflag:s2] =	ssyncadd.s32 $0xFFFF8000  }
0xe0: {  	_ =	sfence.sel $0x180000  }
0xe1: {  	[bflag:$0x0] =	sbarrier.arrive $0xFFFF  }
0xe2: {  	_ =	strace $0x90000047  }
0xe3: {  	s0 =	stileid.u32;
	[bflag:$0x2] =	sbarrier.arrive $0xFFFF  }
0xe4: {  	p0 =	sne.s32 s0, $0x0;
	s0 =	rddreg [dreg:$0x3]  }
0xe5: {  	s0 =	sadd.s32 @!p0 $0x100000, s0  }
0xe6: {  	[sflag:s0] =	ssyncadd.tile.s32 @!p0 $0x1;
	_ =	shalt  }
.Lfunc_end2:
_tile_overlayer_lowered:
.L_overlay_start_2:
0xe7: {  	(tag) =	ssettag $0x2  }
0xe8: {  	s0 =	rddreg [dreg:$0x0];
	s2 =	stileid.u32  }
0xe9: {  	s1 =	rddreg [dreg:$0x1];
	p0 =	sne.s32 s2, $0x0  }
0xea: {  	s3 =	rddreg [dreg:$0x2];
	[bflag:$0x3] =	sbarrier.arrive $0xFFFF;
	s2 =	simm.s32 @!p0 $0x1C05  }
0xeb: {  	[timem:s3], [sflag:s2] =	dma.local @!p0 [hbm:s0], s1  }
0xec: {  	s0 =	simm.s32 @!p0 $0x5  }
0xed: {  	_ =	swait.ge @!p0 [sflag:s0], s1  }
0xee: {  	s1 =	ssub.s32 @!p0 $0x0, s1;
	[sflag:s0] =	ssyncset.done @!p0 $0x0  }
0xef: {  	[sflag:s0] =	ssyncadd.s32 @!p0 s1  }
0xf0: {  	[bflag:$0x3] =	sbarrier.arrive $0xFFFF  }
0xf1: {  	_ =	shalt  }

</sc_bundles>
